<compile_context>
chip_gen: v7x
topology: tpu7x:2x2x1
jax: 0.10.2.dev20260603
libtpu: 0.0.44.dev20260713+nightly
codegen_flags: <defaults>
</compile_context>

<pallas_src>
import functools

import jax
import jax.numpy as jnp
from jax import lax
from jax.experimental import pallas as pl
from jax.experimental.pallas import tpu as pltpu
from jax.experimental.pallas import tpu_sc as plsc

_TAU = 2048


def _build_sc_edges_kernel(B, E, H, L, NC):
    tail = _TAU * H
    out_e = E + tail
    HALF = E // 2
    NPIPE = 4
    C = HALF // NPIPE
    period = H * L
    nper = tail // period
    assert tail % period == 0 and E % 4 == 0

    shift = 16
    mult = -(-(1 << shift) // H)
    for j in range(period):
        assert (j * mult) >> shift == j // H

    mesh = plsc.VectorSubcoreMesh(core_axis_name="c", subcore_axis_name="s")

    @functools.partial(
        pl.kernel,
        mesh=mesh,
        out_type=jax.ShapeDtypeStruct((B, 2, out_e), jnp.int32),
        scratch_types=[
            pltpu.VMEM((HALF,), jnp.int32),
            pltpu.VMEM((tail,), jnp.int32),
            pltpu.VMEM((B + H, L), jnp.int32),
            pltpu.SemaphoreType.DMA,
            pltpu.SemaphoreType.DMA,
            pltpu.SemaphoreType.DMA,
            pltpu.SemaphoreType.DMA,
            pltpu.SemaphoreType.DMA,
            pltpu.SemaphoreType.DMA,
        ],
    )
    def sc_k(e_hbm, params_hbm, eout_hbm, buf, tl, par_v,
             s0, s1, s2, s3, sem_p, sem_o):
        c = lax.axis_index("c")
        s = lax.axis_index("s")
        w = s * NC + c
        row = lax.div(w, 2)
        b = lax.div(row, 2)
        i = lax.rem(row, 2)
        half = lax.rem(w, 2)
        off = half * HALF
        do_tail = lax.rem(w, 2) == lax.rem(row, 2)
        sems = [s0, s1, s2, s3]

        @pl.when(do_tail)
        def _params():
            pltpu.async_copy(params_hbm, par_v, sem_p)

        for k in range(NPIPE):
            pltpu.async_copy(
                e_hbm.at[b, i, pl.ds(off + k * C, C)],
                buf.at[pl.ds(k * C, C)], sems[k]
            )

        for k in range(NPIPE):
            pltpu.make_async_copy(
                e_hbm.at[0, 0, pl.ds(0, C)], buf.at[pl.ds(k * C, C)], sems[k]
            ).wait()
            pltpu.async_copy(
                buf.at[pl.ds(k * C, C)],
                eout_hbm.at[b, i, pl.ds(off + k * C, C)], sem_o
            )

        @pl.when(do_tail)
        def _gen_tail():
            pltpu.make_async_copy(params_hbm, par_v, sem_p).wait()
            base_v = par_v[b]
            i_v = jnp.full((L,), i, jnp.int32)
            lanes = lax.broadcasted_iota(jnp.int32, (L,), 0)
            seeds = []
            for h in range(H):
                j = h * L + lanes
                t = (j * mult) >> shift
                r = j - t * H
                hop = par_v[B + H - 1]
                for hh in range(H - 2, -1, -1):
                    hop = jnp.where(r == hh, par_v[B + hh], hop)
                seeds.append(base_v + t - i_v * hop)

            def body(ci, carry):
                o = ci * period
                for h in range(H):
                    tl[pl.ds(o + h * L, L)] = carry[h]
                return tuple(v + L for v in carry)

            lax.fori_loop(0, nper, body, tuple(seeds))
            pltpu.async_copy(tl, eout_hbm.at[b, i, pl.ds(E, tail)], sem_o)

        for k in range(NPIPE):
            pltpu.make_async_copy(
                buf.at[pl.ds(k * C, C)], eout_hbm.at[0, 0, pl.ds(0, C)], sem_o
            ).wait()

        @pl.when(do_tail)
        def _tail_drain():
            pltpu.make_async_copy(
                tl, eout_hbm.at[0, 0, pl.ds(E, tail)], sem_o
            ).wait()

    return sc_k


def _build_tc_weights_kernel(B, E, H, wdtype):
    tail = _TAU * H
    out_e = E + tail

    def body(w_ref, o_ref):
        o_ref[:, :, pl.ds(0, E)] = w_ref[...]
        o_ref[:, :, pl.ds(E, tail)] = jnp.zeros((1, 1, tail), wdtype)

    return pl.pallas_call(
        body,
        grid=(B,),
        in_specs=[pl.BlockSpec((1, 1, E), lambda b: (b, 0, 0))],
        out_specs=pl.BlockSpec((1, 1, out_e), lambda b: (b, 0, 0)),
        out_shape=jax.ShapeDtypeStruct((B, 1, out_e), wdtype),
    )


def kernel(nodes, edges, weights, T, taus, hops):
    del nodes
    B, _, E = edges.shape
    H = hops.shape[0]
    edtype = edges.dtype

    info = plsc.get_sparse_core_info()
    NC, L = info.num_cores, info.num_lanes

    base = T.astype(jnp.int32) + taus.astype(jnp.int32) - _TAU
    scal = jnp.concatenate([base, hops.astype(jnp.int32)])
    params = jnp.broadcast_to(scal[:, None], (B + H, L))

    sc_k = _build_sc_edges_kernel(B, E, H, L, NC)
    edges_out = sc_k(edges.astype(jnp.int32), params)
    weights_out = _build_tc_weights_kernel(B, E, H, weights.dtype)(weights)
    return edges_out.astype(edtype), weights_out

# --- scband reference (transcript-rebuilt; emitter-appended) ---
"""Pipeline reference for scband-temporal-edge-56384330662458 (READ-ONLY COPY).

The authoritative reference and input builder live on the scoring server;
editing this copy changes nothing except your own understanding.
"""

import jax, jax.numpy as jnp
import numpy as np

HOPS = [1, 2, 4]
B, N, FEAT, E = 8, 4096, 128, 65536
T0, TAU = 1024, 2048


def setup_inputs(seed: int = 0):
    key = jax.random.key(seed)
    k1, k2, k3 = jax.random.split(key, 3)
    nodes = jax.random.normal(k1, (B, N, FEAT), dtype=jnp.float32)
    edges = jax.random.randint(k2, (B, 2, E), 0, N)
    weights = jax.random.uniform(k3, (B, 1, E), dtype=jnp.float32)
    T = jnp.full((B,), T0, dtype=jnp.int32)
    taus = jnp.full((B,), TAU, dtype=jnp.int32)
    hops = jnp.array(HOPS, dtype=edges.dtype)
    return {"nodes": nodes, "edges": edges, "weights": weights, "T": T, "taus": taus, "hops": hops}


def reference(nodes, edges, weights, T, taus, hops):
    Bb = nodes.shape[0]
    # taus are uniform across the batch so the output shape is static
    tau = TAU
    H = hops.shape[0]
    # edge_base[b, t] = T[b] + t, t in [0, tau); taus - tau is identically zero here
    base = (T + (taus - tau)).astype(edges.dtype)
    edge_base = base[:, None] + jnp.arange(tau, dtype=edges.dtype)[None, :]
    # repeat each endpoint once per hop
    edge_ends = jnp.repeat(edge_base[:, :, None], H, axis=2)  # [B, tau, H]
    edge_starts = edge_ends - hops[None, None, :].astype(edges.dtype)
    new_edges = jnp.stack((edge_ends.reshape(Bb, -1), edge_starts.reshape(Bb, -1)), axis=1)  # [B, 2, tau*H]
    new_weights = jnp.zeros((Bb, 1, new_edges.shape[-1]), dtype=weights.dtype)
    edges_out = jnp.concatenate((edges, new_edges), axis=-1)
    weights_out = jnp.concatenate((weights, new_weights), axis=-1)
    return (edges_out, weights_out)

if __name__ == "__main__":
    import jax
    _d = setup_inputs()
    print(jax.jit(kernel)(*tuple(_d.values())))

</pallas_src>

<mosaic_0001>
#map = affine_map<(d0, d1) -> (0, 0, 0)>
#map1 = affine_map<(d0, d1) -> (0, 0)>
module attributes {stable_mosaic.version = 14 : i64} {
  func.func @sc_k(%arg0: i32, %arg1: i32, %arg2: memref<8x2x65536xi32, #tpu.memory_space<hbm>>, %arg3: memref<11x16xi32, #tpu.memory_space<hbm>>, %arg4: memref<8x2x71680xi32, #tpu.memory_space<hbm>>, %arg5: memref<32768xi32, #tpu.memory_space<vmem>>, %arg6: memref<6144xi32, #tpu.memory_space<vmem>>, %arg7: memref<11x16xi32, #tpu.memory_space<vmem>>, %arg8: memref<!tpu.dma_semaphore, #tpu.memory_space<semaphore_mem>>, %arg9: memref<!tpu.dma_semaphore, #tpu.memory_space<semaphore_mem>>, %arg10: memref<!tpu.dma_semaphore, #tpu.memory_space<semaphore_mem>>, %arg11: memref<!tpu.dma_semaphore, #tpu.memory_space<semaphore_mem>>, %arg12: memref<!tpu.dma_semaphore, #tpu.memory_space<semaphore_mem>>, %arg13: memref<!tpu.dma_semaphore, #tpu.memory_space<semaphore_mem>>) attributes {dimension_semantics = [#tpu.dimension_semantics<core_parallel>, #tpu.dimension_semantics<subcore_parallel>], iteration_bounds = array<i64: 2, 16>, scalar_prefetch = 0 : i64, scratch_operands = 9 : i64, tpu.core_type = #tpu.core_type<sc_vector_subcore>, window_params = [{transform_indices = #map}, {transform_indices = #map1}, {transform_indices = #map}]} {
    %mul3A = arith.constant 2 : i32
    %mul3A_0 = arith.muli %arg1, %mul3A : i32
    %add3A = arith.addi %mul3A_0, %arg0 : i32
    %div3A = arith.constant 2 : i32
    %div3A_1 = arith.divsi %add3A, %div3A : i32
    %div3A_2 = arith.constant 2 : i32
    %div3A_3 = arith.divsi %div3A_1, %div3A_2 : i32
    %rem3A = arith.constant 2 : i32
    %rem3A_4 = arith.remsi %div3A_1, %rem3A : i32
    %rem3A_5 = arith.constant 2 : i32
    %rem3A_6 = arith.remsi %add3A, %rem3A_5 : i32
    %mul3A_7 = arith.constant 32768 : i32
    %mul3A_8 = arith.muli %rem3A_6, %mul3A_7 : i32
    %rem3A_9 = arith.constant 2 : i32
    %rem3A_10 = arith.remsi %add3A, %rem3A_9 : i32
    %rem3A_11 = arith.constant 2 : i32
    %rem3A_12 = arith.remsi %div3A_1, %rem3A_11 : i32
    %eq3A = arith.cmpi eq, %rem3A_10, %rem3A_12 : i32
    %convert_element_type3A = arith.extui %eq3A : i1 to i32
    %cond3A = arith.constant 0 : i32
    %cond3A_13 = arith.cmpi ne, %convert_element_type3A, %cond3A : i32
    scf.if %cond3A_13 {
      tpu.enqueue_dma source(%arg3 : memref<11x16xi32, #tpu.memory_space<hbm>>) target(%arg7 : memref<11x16xi32, #tpu.memory_space<vmem>>) target_semaphore(%arg12 : memref<!tpu.dma_semaphore, #tpu.memory_space<semaphore_mem>>)
    } else {
    }
    %add3A_14 = arith.constant 0 : i32
    %add3A_15 = arith.addi %mul3A_8, %add3A_14 : i32
    %dma_start3A = arith.constant 0 : i32
    %dma_start3A_16 = tpu.memref_slice %arg5[%dma_start3A] : memref<32768xi32, #tpu.memory_space<vmem>> -> memref<8192xi32, #tpu.memory_space<vmem>>
    %dma_start3A_17 = tpu.memref_slice %arg2[%div3A_3, %rem3A_4, %add3A_15] : memref<8x2x65536xi32, #tpu.memory_space<hbm>> -> memref<1x1x8192xi32, #tpu.memory_space<hbm>>
    %dma_start3A_18 = tpu.memref_squeeze %dma_start3A_17 : memref<1x1x8192xi32, #tpu.memory_space<hbm>> -> memref<8192xi32, #tpu.memory_space<hbm>>
    %dma_start3A_19 = arith.constant 0 : i32
    %dma_start3A_20 = tpu.memref_slice %arg5[%dma_start3A_19] : memref<32768xi32, #tpu.memory_space<vmem>> -> memref<8192xi32, #tpu.memory_space<vmem>>
    %dma_start3A_21 = tpu.memref_slice %arg2[%div3A_3, %rem3A_4, %add3A_15] : memref<8x2x65536xi32, #tpu.memory_space<hbm>> -> memref<1x1x8192xi32, #tpu.memory_space<hbm>>
    %dma_start3A_22 = tpu.memref_squeeze %dma_start3A_21 : memref<1x1x8192xi32, #tpu.memory_space<hbm>> -> memref<8192xi32, #tpu.memory_space<hbm>>
    tpu.enqueue_dma source(%dma_start3A_22 : memref<8192xi32, #tpu.memory_space<hbm>>) target(%dma_start3A_20 : memref<8192xi32, #tpu.memory_space<vmem>>) target_semaphore(%arg8 : memref<!tpu.dma_semaphore, #tpu.memory_space<semaphore_mem>>)
    %add3A_23 = arith.constant 8192 : i32
    %add3A_24 = arith.addi %mul3A_8, %add3A_23 : i32
    %dma_start3A_25 = arith.constant 8192 : i32
    %dma_start3A_26 = tpu.memref_slice %arg5[%dma_start3A_25] : memref<32768xi32, #tpu.memory_space<vmem>> -> memref<8192xi32, #tpu.memory_space<vmem>>
    %dma_start3A_27 = tpu.memref_slice %arg2[%div3A_3, %rem3A_4, %add3A_24] : memref<8x2x65536xi32, #tpu.memory_space<hbm>> -> memref<1x1x8192xi32, #tpu.memory_space<hbm>>
    %dma_start3A_28 = tpu.memref_squeeze %dma_start3A_27 : memref<1x1x8192xi32, #tpu.memory_space<hbm>> -> memref<8192xi32, #tpu.memory_space<hbm>>
    %dma_start3A_29 = arith.constant 8192 : i32
    %dma_start3A_30 = tpu.memref_slice %arg5[%dma_start3A_29] : memref<32768xi32, #tpu.memory_space<vmem>> -> memref<8192xi32, #tpu.memory_space<vmem>>
    %dma_start3A_31 = tpu.memref_slice %arg2[%div3A_3, %rem3A_4, %add3A_24] : memref<8x2x65536xi32, #tpu.memory_space<hbm>> -> memref<1x1x8192xi32, #tpu.memory_space<hbm>>
    %dma_start3A_32 = tpu.memref_squeeze %dma_start3A_31 : memref<1x1x8192xi32, #tpu.memory_space<hbm>> -> memref<8192xi32, #tpu.memory_space<hbm>>
    tpu.enqueue_dma source(%dma_start3A_32 : memref<8192xi32, #tpu.memory_space<hbm>>) target(%dma_start3A_30 : memref<8192xi32, #tpu.memory_space<vmem>>) target_semaphore(%arg9 : memref<!tpu.dma_semaphore, #tpu.memory_space<semaphore_mem>>)
    %add3A_33 = arith.constant 16384 : i32
    %add3A_34 = arith.addi %mul3A_8, %add3A_33 : i32
    %dma_start3A_35 = arith.constant 16384 : i32
    %dma_start3A_36 = tpu.memref_slice %arg5[%dma_start3A_35] : memref<32768xi32, #tpu.memory_space<vmem>> -> memref<8192xi32, #tpu.memory_space<vmem>>
    %dma_start3A_37 = tpu.memref_slice %arg2[%div3A_3, %rem3A_4, %add3A_34] : memref<8x2x65536xi32, #tpu.memory_space<hbm>> -> memref<1x1x8192xi32, #tpu.memory_space<hbm>>
    %dma_start3A_38 = tpu.memref_squeeze %dma_start3A_37 : memref<1x1x8192xi32, #tpu.memory_space<hbm>> -> memref<8192xi32, #tpu.memory_space<hbm>>
    %dma_start3A_39 = arith.constant 16384 : i32
    %dma_start3A_40 = tpu.memref_slice %arg5[%dma_start3A_39] : memref<32768xi32, #tpu.memory_space<vmem>> -> memref<8192xi32, #tpu.memory_space<vmem>>
    %dma_start3A_41 = tpu.memref_slice %arg2[%div3A_3, %rem3A_4, %add3A_34] : memref<8x2x65536xi32, #tpu.memory_space<hbm>> -> memref<1x1x8192xi32, #tpu.memory_space<hbm>>
    %dma_start3A_42 = tpu.memref_squeeze %dma_start3A_41 : memref<1x1x8192xi32, #tpu.memory_space<hbm>> -> memref<8192xi32, #tpu.memory_space<hbm>>
    tpu.enqueue_dma source(%dma_start3A_42 : memref<8192xi32, #tpu.memory_space<hbm>>) target(%dma_start3A_40 : memref<8192xi32, #tpu.memory_space<vmem>>) target_semaphore(%arg10 : memref<!tpu.dma_semaphore, #tpu.memory_space<semaphore_mem>>)
    %add3A_43 = arith.constant 24576 : i32
    %add3A_44 = arith.addi %mul3A_8, %add3A_43 : i32
    %dma_start3A_45 = arith.constant 24576 : i32
    %dma_start3A_46 = tpu.memref_slice %arg5[%dma_start3A_45] : memref<32768xi32, #tpu.memory_space<vmem>> -> memref<8192xi32, #tpu.memory_space<vmem>>
    %dma_start3A_47 = tpu.memref_slice %arg2[%div3A_3, %rem3A_4, %add3A_44] : memref<8x2x65536xi32, #tpu.memory_space<hbm>> -> memref<1x1x8192xi32, #tpu.memory_space<hbm>>
    %dma_start3A_48 = tpu.memref_squeeze %dma_start3A_47 : memref<1x1x8192xi32, #tpu.memory_space<hbm>> -> memref<8192xi32, #tpu.memory_space<hbm>>
    %dma_start3A_49 = arith.constant 24576 : i32
    %dma_start3A_50 = tpu.memref_slice %arg5[%dma_start3A_49] : memref<32768xi32, #tpu.memory_space<vmem>> -> memref<8192xi32, #tpu.memory_space<vmem>>
    %dma_start3A_51 = tpu.memref_slice %arg2[%div3A_3, %rem3A_4, %add3A_44] : memref<8x2x65536xi32, #tpu.memory_space<hbm>> -> memref<1x1x8192xi32, #tpu.memory_space<hbm>>
    %dma_start3A_52 = tpu.memref_squeeze %dma_start3A_51 : memref<1x1x8192xi32, #tpu.memory_space<hbm>> -> memref<8192xi32, #tpu.memory_space<hbm>>
    tpu.enqueue_dma source(%dma_start3A_52 : memref<8192xi32, #tpu.memory_space<hbm>>) target(%dma_start3A_50 : memref<8192xi32, #tpu.memory_space<vmem>>) target_semaphore(%arg11 : memref<!tpu.dma_semaphore, #tpu.memory_space<semaphore_mem>>)
    %dma_wait3A = arith.constant 0 : i32
    %dma_wait3A_53 = arith.constant 0 : i32
    %dma_wait3A_54 = arith.constant 0 : i32
    %dma_wait3A_55 = tpu.memref_slice %arg5[%dma_wait3A_54] : memref<32768xi32, #tpu.memory_space<vmem>> -> memref<8192xi32, #tpu.memory_space<vmem>>
    %dma_wait3A_56 = arith.constant 0 : i32
    %dma_wait3A_57 = tpu.memref_slice %arg2[%dma_wait3A, %dma_wait3A_53, %dma_wait3A_56] : memref<8x2x65536xi32, #tpu.memory_space<hbm>> -> memref<1x1x8192xi32, #tpu.memory_space<hbm>>
    %dma_wait3A_58 = tpu.memref_squeeze %dma_wait3A_57 : memref<1x1x8192xi32, #tpu.memory_space<hbm>> -> memref<8192xi32, #tpu.memory_space<hbm>>
    %dma_wait3A_59 = arith.constant 0 : i32
    %dma_wait3A_60 = tpu.memref_slice %arg5[%dma_wait3A_59] : memref<32768xi32, #tpu.memory_space<vmem>> -> memref<8192xi32, #tpu.memory_space<vmem>>
    %dma_wait3A_61 = arith.constant 0 : i32
    %dma_wait3A_62 = tpu.memref_slice %arg2[%dma_wait3A, %dma_wait3A_53, %dma_wait3A_61] : memref<8x2x65536xi32, #tpu.memory_space<hbm>> -> memref<1x1x8192xi32, #tpu.memory_space<hbm>>
    %dma_wait3A_63 = tpu.memref_squeeze %dma_wait3A_62 : memref<1x1x8192xi32, #tpu.memory_space<hbm>> -> memref<8192xi32, #tpu.memory_space<hbm>>
    tpu.wait_dma2 semaphore(%arg8 : memref<!tpu.dma_semaphore, #tpu.memory_space<semaphore_mem>>) src(%dma_wait3A_63 : memref<8192xi32, #tpu.memory_space<hbm>>) dst(%dma_wait3A_60 : memref<8192xi32, #tpu.memory_space<vmem>>)
    %add3A_64 = arith.constant 0 : i32
    %add3A_65 = arith.addi %mul3A_8, %add3A_64 : i32
    %dma_start3A_66 = arith.constant 0 : i32
    %dma_start3A_67 = tpu.memref_slice %arg5[%dma_start3A_66] : memref<32768xi32, #tpu.memory_space<vmem>> -> memref<8192xi32, #tpu.memory_space<vmem>>
    %dma_start3A_68 = tpu.memref_slice %arg4[%div3A_3, %rem3A_4, %add3A_65] : memref<8x2x71680xi32, #tpu.memory_space<hbm>> -> memref<1x1x8192xi32, #tpu.memory_space<hbm>>
    %dma_start3A_69 = tpu.memref_squeeze %dma_start3A_68 : memref<1x1x8192xi32, #tpu.memory_space<hbm>> -> memref<8192xi32, #tpu.memory_space<hbm>>
    %dma_start3A_70 = tpu.memref_slice %arg4[%div3A_3, %rem3A_4, %add3A_65] : memref<8x2x71680xi32, #tpu.memory_space<hbm>> -> memref<1x1x8192xi32, #tpu.memory_space<hbm>>
    %dma_start3A_71 = tpu.memref_squeeze %dma_start3A_70 : memref<1x1x8192xi32, #tpu.memory_space<hbm>> -> memref<8192xi32, #tpu.memory_space<hbm>>
    %dma_start3A_72 = arith.constant 0 : i32
    %dma_start3A_73 = tpu.memref_slice %arg5[%dma_start3A_72] : memref<32768xi32, #tpu.memory_space<vmem>> -> memref<8192xi32, #tpu.memory_space<vmem>>
    tpu.enqueue_dma source(%dma_start3A_73 : memref<8192xi32, #tpu.memory_space<vmem>>) target(%dma_start3A_71 : memref<8192xi32, #tpu.memory_space<hbm>>) target_semaphore(%arg13 : memref<!tpu.dma_semaphore, #tpu.memory_space<semaphore_mem>>)
    %dma_wait3A_74 = arith.constant 0 : i32
    %dma_wait3A_75 = arith.constant 0 : i32
    %dma_wait3A_76 = arith.constant 8192 : i32
    %dma_wait3A_77 = tpu.memref_slice %arg5[%dma_wait3A_76] : memref<32768xi32, #tpu.memory_space<vmem>> -> memref<8192xi32, #tpu.memory_space<vmem>>
    %dma_wait3A_78 = arith.constant 0 : i32
    %dma_wait3A_79 = tpu.memref_slice %arg2[%dma_wait3A_74, %dma_wait3A_75, %dma_wait3A_78] : memref<8x2x65536xi32, #tpu.memory_space<hbm>> -> memref<1x1x8192xi32, #tpu.memory_space<hbm>>
    %dma_wait3A_80 = tpu.memref_squeeze %dma_wait3A_79 : memref<1x1x8192xi32, #tpu.memory_space<hbm>> -> memref<8192xi32, #tpu.memory_space<hbm>>
    %dma_wait3A_81 = arith.constant 8192 : i32
    %dma_wait3A_82 = tpu.memref_slice %arg5[%dma_wait3A_81] : memref<32768xi32, #tpu.memory_space<vmem>> -> memref<8192xi32, #tpu.memory_space<vmem>>
    %dma_wait3A_83 = arith.constant 0 : i32
    %dma_wait3A_84 = tpu.memref_slice %arg2[%dma_wait3A_74, %dma_wait3A_75, %dma_wait3A_83] : memref<8x2x65536xi32, #tpu.memory_space<hbm>> -> memref<1x1x8192xi32, #tpu.memory_space<hbm>>
    %dma_wait3A_85 = tpu.memref_squeeze %dma_wait3A_84 : memref<1x1x8192xi32, #tpu.memory_space<hbm>> -> memref<8192xi32, #tpu.memory_space<hbm>>
    tpu.wait_dma2 semaphore(%arg9 : memref<!tpu.dma_semaphore, #tpu.memory_space<semaphore_mem>>) src(%dma_wait3A_85 : memref<8192xi32, #tpu.memory_space<hbm>>) dst(%dma_wait3A_82 : memref<8192xi32, #tpu.memory_space<vmem>>)
    %add3A_86 = arith.constant 8192 : i32
    %add3A_87 = arith.addi %mul3A_8, %add3A_86 : i32
    %dma_start3A_88 = arith.constant 8192 : i32
    %dma_start3A_89 = tpu.memref_slice %arg5[%dma_start3A_88] : memref<32768xi32, #tpu.memory_space<vmem>> -> memref<8192xi32, #tpu.memory_space<vmem>>
    %dma_start3A_90 = tpu.memref_slice %arg4[%div3A_3, %rem3A_4, %add3A_87] : memref<8x2x71680xi32, #tpu.memory_space<hbm>> -> memref<1x1x8192xi32, #tpu.memory_space<hbm>>
    %dma_start3A_91 = tpu.memref_squeeze %dma_start3A_90 : memref<1x1x8192xi32, #tpu.memory_space<hbm>> -> memref<8192xi32, #tpu.memory_space<hbm>>
    %dma_start3A_92 = tpu.memref_slice %arg4[%div3A_3, %rem3A_4, %add3A_87] : memref<8x2x71680xi32, #tpu.memory_space<hbm>> -> memref<1x1x8192xi32, #tpu.memory_space<hbm>>
    %dma_start3A_93 = tpu.memref_squeeze %dma_start3A_92 : memref<1x1x8192xi32, #tpu.memory_space<hbm>> -> memref<8192xi32, #tpu.memory_space<hbm>>
    %dma_start3A_94 = arith.constant 8192 : i32
    %dma_start3A_95 = tpu.memref_slice %arg5[%dma_start3A_94] : memref<32768xi32, #tpu.memory_space<vmem>> -> memref<8192xi32, #tpu.memory_space<vmem>>
    tpu.enqueue_dma source(%dma_start3A_95 : memref<8192xi32, #tpu.memory_space<vmem>>) target(%dma_start3A_93 : memref<8192xi32, #tpu.memory_space<hbm>>) target_semaphore(%arg13 : memref<!tpu.dma_semaphore, #tpu.memory_space<semaphore_mem>>)
    %dma_wait3A_96 = arith.constant 0 : i32
    %dma_wait3A_97 = arith.constant 0 : i32
    %dma_wait3A_98 = arith.constant 16384 : i32
    %dma_wait3A_99 = tpu.memref_slice %arg5[%dma_wait3A_98] : memref<32768xi32, #tpu.memory_space<vmem>> -> memref<8192xi32, #tpu.memory_space<vmem>>
    %dma_wait3A_100 = arith.constant 0 : i32
    %dma_wait3A_101 = tpu.memref_slice %arg2[%dma_wait3A_96, %dma_wait3A_97, %dma_wait3A_100] : memref<8x2x65536xi32, #tpu.memory_space<hbm>> -> memref<1x1x8192xi32, #tpu.memory_space<hbm>>
    %dma_wait3A_102 = tpu.memref_squeeze %dma_wait3A_101 : memref<1x1x8192xi32, #tpu.memory_space<hbm>> -> memref<8192xi32, #tpu.memory_space<hbm>>
    %dma_wait3A_103 = arith.constant 16384 : i32
    %dma_wait3A_104 = tpu.memref_slice %arg5[%dma_wait3A_103] : memref<32768xi32, #tpu.memory_space<vmem>> -> memref<8192xi32, #tpu.memory_space<vmem>>
    %dma_wait3A_105 = arith.constant 0 : i32
    %dma_wait3A_106 = tpu.memref_slice %arg2[%dma_wait3A_96, %dma_wait3A_97, %dma_wait3A_105] : memref<8x2x65536xi32, #tpu.memory_space<hbm>> -> memref<1x1x8192xi32, #tpu.memory_space<hbm>>
    %dma_wait3A_107 = tpu.memref_squeeze %dma_wait3A_106 : memref<1x1x8192xi32, #tpu.memory_space<hbm>> -> memref<8192xi32, #tpu.memory_space<hbm>>
    tpu.wait_dma2 semaphore(%arg10 : memref<!tpu.dma_semaphore, #tpu.memory_space<semaphore_mem>>) src(%dma_wait3A_107 : memref<8192xi32, #tpu.memory_space<hbm>>) dst(%dma_wait3A_104 : memref<8192xi32, #tpu.memory_space<vmem>>)
    %add3A_108 = arith.constant 16384 : i32
    %add3A_109 = arith.addi %mul3A_8, %add3A_108 : i32
    %dma_start3A_110 = arith.constant 16384 : i32
    %dma_start3A_111 = tpu.memref_slice %arg5[%dma_start3A_110] : memref<32768xi32, #tpu.memory_space<vmem>> -> memref<8192xi32, #tpu.memory_space<vmem>>
    %dma_start3A_112 = tpu.memref_slice %arg4[%div3A_3, %rem3A_4, %add3A_109] : memref<8x2x71680xi32, #tpu.memory_space<hbm>> -> memref<1x1x8192xi32, #tpu.memory_space<hbm>>
    %dma_start3A_113 = tpu.memref_squeeze %dma_start3A_112 : memref<1x1x8192xi32, #tpu.memory_space<hbm>> -> memref<8192xi32, #tpu.memory_space<hbm>>
    %dma_start3A_114 = tpu.memref_slice %arg4[%div3A_3, %rem3A_4, %add3A_109] : memref<8x2x71680xi32, #tpu.memory_space<hbm>> -> memref<1x1x8192xi32, #tpu.memory_space<hbm>>
    %dma_start3A_115 = tpu.memref_squeeze %dma_start3A_114 : memref<1x1x8192xi32, #tpu.memory_space<hbm>> -> memref<8192xi32, #tpu.memory_space<hbm>>
    %dma_start3A_116 = arith.constant 16384 : i32
    %dma_start3A_117 = tpu.memref_slice %arg5[%dma_start3A_116] : memref<32768xi32, #tpu.memory_space<vmem>> -> memref<8192xi32, #tpu.memory_space<vmem>>
    tpu.enqueue_dma source(%dma_start3A_117 : memref<8192xi32, #tpu.memory_space<vmem>>) target(%dma_start3A_115 : memref<8192xi32, #tpu.memory_space<hbm>>) target_semaphore(%arg13 : memref<!tpu.dma_semaphore, #tpu.memory_space<semaphore_mem>>)
    %dma_wait3A_118 = arith.constant 0 : i32
    %dma_wait3A_119 = arith.constant 0 : i32
    %dma_wait3A_120 = arith.constant 24576 : i32
    %dma_wait3A_121 = tpu.memref_slice %arg5[%dma_wait3A_120] : memref<32768xi32, #tpu.memory_space<vmem>> -> memref<8192xi32, #tpu.memory_space<vmem>>
    %dma_wait3A_122 = arith.constant 0 : i32
    %dma_wait3A_123 = tpu.memref_slice %arg2[%dma_wait3A_118, %dma_wait3A_119, %dma_wait3A_122] : memref<8x2x65536xi32, #tpu.memory_space<hbm>> -> memref<1x1x8192xi32, #tpu.memory_space<hbm>>
    %dma_wait3A_124 = tpu.memref_squeeze %dma_wait3A_123 : memref<1x1x8192xi32, #tpu.memory_space<hbm>> -> memref<8192xi32, #tpu.memory_space<hbm>>
    %dma_wait3A_125 = arith.constant 24576 : i32
    %dma_wait3A_126 = tpu.memref_slice %arg5[%dma_wait3A_125] : memref<32768xi32, #tpu.memory_space<vmem>> -> memref<8192xi32, #tpu.memory_space<vmem>>
    %dma_wait3A_127 = arith.constant 0 : i32
    %dma_wait3A_128 = tpu.memref_slice %arg2[%dma_wait3A_118, %dma_wait3A_119, %dma_wait3A_127] : memref<8x2x65536xi32, #tpu.memory_space<hbm>> -> memref<1x1x8192xi32, #tpu.memory_space<hbm>>
    %dma_wait3A_129 = tpu.memref_squeeze %dma_wait3A_128 : memref<1x1x8192xi32, #tpu.memory_space<hbm>> -> memref<8192xi32, #tpu.memory_space<hbm>>
    tpu.wait_dma2 semaphore(%arg11 : memref<!tpu.dma_semaphore, #tpu.memory_space<semaphore_mem>>) src(%dma_wait3A_129 : memref<8192xi32, #tpu.memory_space<hbm>>) dst(%dma_wait3A_126 : memref<8192xi32, #tpu.memory_space<vmem>>)
    %add3A_130 = arith.constant 24576 : i32
    %add3A_131 = arith.addi %mul3A_8, %add3A_130 : i32
    %dma_start3A_132 = arith.constant 24576 : i32
    %dma_start3A_133 = tpu.memref_slice %arg5[%dma_start3A_132] : memref<32768xi32, #tpu.memory_space<vmem>> -> memref<8192xi32, #tpu.memory_space<vmem>>
    %dma_start3A_134 = tpu.memref_slice %arg4[%div3A_3, %rem3A_4, %add3A_131] : memref<8x2x71680xi32, #tpu.memory_space<hbm>> -> memref<1x1x8192xi32, #tpu.memory_space<hbm>>
    %dma_start3A_135 = tpu.memref_squeeze %dma_start3A_134 : memref<1x1x8192xi32, #tpu.memory_space<hbm>> -> memref<8192xi32, #tpu.memory_space<hbm>>
    %dma_start3A_136 = tpu.memref_slice %arg4[%div3A_3, %rem3A_4, %add3A_131] : memref<8x2x71680xi32, #tpu.memory_space<hbm>> -> memref<1x1x8192xi32, #tpu.memory_space<hbm>>
    %dma_start3A_137 = tpu.memref_squeeze %dma_start3A_136 : memref<1x1x8192xi32, #tpu.memory_space<hbm>> -> memref<8192xi32, #tpu.memory_space<hbm>>
    %dma_start3A_138 = arith.constant 24576 : i32
    %dma_start3A_139 = tpu.memref_slice %arg5[%dma_start3A_138] : memref<32768xi32, #tpu.memory_space<vmem>> -> memref<8192xi32, #tpu.memory_space<vmem>>
    tpu.enqueue_dma source(%dma_start3A_139 : memref<8192xi32, #tpu.memory_space<vmem>>) target(%dma_start3A_137 : memref<8192xi32, #tpu.memory_space<hbm>>) target_semaphore(%arg13 : memref<!tpu.dma_semaphore, #tpu.memory_space<semaphore_mem>>)
    %convert_element_type3A_140 = arith.extui %eq3A : i1 to i32
    %cond3A_141 = arith.constant 0 : i32
    %cond3A_142 = arith.cmpi ne, %convert_element_type3A_140, %cond3A_141 : i32
    scf.if %cond3A_142 {
      tpu.wait_dma2 semaphore(%arg12 : memref<!tpu.dma_semaphore, #tpu.memory_space<semaphore_mem>>) src(%arg3 : memref<11x16xi32, #tpu.memory_space<hbm>>) dst(%arg7 : memref<11x16xi32, #tpu.memory_space<vmem>>)
      %get3A = arith.index_cast %div3A_3 : i32 to index
      %get3A_194 = arith.constant 0 : index
      %get3A_195 = tpu.vector_load %arg7[%get3A, %get3A_194] {strides = array<i32>} : memref<11x16xi32, #tpu.memory_space<vmem>>, vector<1x16xi32>,
      %get3A_196 = vector.shape_cast %get3A_195 : vector<1x16xi32> to vector<16xi32>
      %broadcast_in_dim3A = vector.broadcast %rem3A_4 : i32 to vector<16xi32>
      %iota3A = tpu.iota {dimensions = array<i32: 0>} : vector<16xi32>
      %add3A_197 = arith.constant 0 : i32
      %add3A_198 = vector.broadcast %add3A_197 : i32 to vector<16xi32>
      %add3A_199 = arith.addi %add3A_198, %iota3A : vector<16xi32>
      %mul3A_200 = arith.constant 21846 : i32
      %mul3A_201 = vector.broadcast %mul3A_200 : i32 to vector<16xi32>
      %mul3A_202 = arith.muli %add3A_199, %mul3A_201 : vector<16xi32>
      %shift_right_arithmetic3A = arith.constant 16 : i32
      %shift_right_arithmetic3A_203 = vector.broadcast %shift_right_arithmetic3A : i32 to vector<16xi32>
      %shift_right_arithmetic3A_204 = arith.shrsi %mul3A_202, %shift_right_arithmetic3A_203 : vector<16xi32>
      %mul3A_205 = arith.constant 3 : i32
      %mul3A_206 = vector.broadcast %mul3A_205 : i32 to vector<16xi32>
      %mul3A_207 = arith.muli %shift_right_arithmetic3A_204, %mul3A_206 : vector<16xi32>
      %sub3A = arith.subi %add3A_199, %mul3A_207 : vector<16xi32>
      %get3A_208 = arith.constant 10 : i32
      %get3A_209 = arith.index_cast %get3A_208 : i32 to index
      %get3A_210 = arith.constant 0 : index
      %get3A_211 = tpu.vector_load %arg7[%get3A_209, %get3A_210] {strides = array<i32>} : memref<11x16xi32, #tpu.memory_space<vmem>>, vector<1x16xi32>,
      %get3A_212 = vector.shape_cast %get3A_211 : vector<1x16xi32> to vector<16xi32>
      %eq3A_213 = arith.constant 1 : i32
      %eq3A_214 = vector.broadcast %eq3A_213 : i32 to vector<16xi32>
      %eq3A_215 = arith.cmpi eq, %sub3A, %eq3A_214 : vector<16xi32>
      %get3A_216 = arith.constant 9 : i32
      %get3A_217 = arith.index_cast %get3A_216 : i32 to index
      %get3A_218 = arith.constant 0 : index
      %get3A_219 = tpu.vector_load %arg7[%get3A_217, %get3A_218] {strides = array<i32>} : memref<11x16xi32, #tpu.memory_space<vmem>>, vector<1x16xi32>,
      %get3A_220 = vector.shape_cast %get3A_219 : vector<1x16xi32> to vector<16xi32>
      %select_n3A = arith.select %eq3A_215, %get3A_220, %get3A_212 : vector<16xi1>, vector<16xi32>
      %eq3A_221 = arith.constant 0 : i32
      %eq3A_222 = vector.broadcast %eq3A_221 : i32 to vector<16xi32>
      %eq3A_223 = arith.cmpi eq, %sub3A, %eq3A_222 : vector<16xi32>
      %get3A_224 = arith.constant 8 : i32
      %get3A_225 = arith.index_cast %get3A_224 : i32 to index
      %get3A_226 = arith.constant 0 : index
      %get3A_227 = tpu.vector_load %arg7[%get3A_225, %get3A_226] {strides = array<i32>} : memref<11x16xi32, #tpu.memory_space<vmem>>, vector<1x16xi32>,
      %get3A_228 = vector.shape_cast %get3A_227 : vector<1x16xi32> to vector<16xi32>
      %select_n3A_229 = arith.select %eq3A_223, %get3A_228, %select_n3A : vector<16xi1>, vector<16xi32>
      %add3A_230 = arith.addi %get3A_196, %shift_right_arithmetic3A_204 : vector<16xi32>
      %mul3A_231 = arith.muli %broadcast_in_dim3A, %select_n3A_229 : vector<16xi32>
      %sub3A_232 = arith.subi %add3A_230, %mul3A_231 : vector<16xi32>
      %add3A_233 = arith.constant 16 : i32
      %add3A_234 = vector.broadcast %add3A_233 : i32 to vector<16xi32>
      %add3A_235 = arith.addi %add3A_234, %iota3A : vector<16xi32>
      %mul3A_236 = arith.constant 21846 : i32
      %mul3A_237 = vector.broadcast %mul3A_236 : i32 to vector<16xi32>
      %mul3A_238 = arith.muli %add3A_235, %mul3A_237 : vector<16xi32>
      %shift_right_arithmetic3A_239 = arith.constant 16 : i32
      %shift_right_arithmetic3A_240 = vector.broadcast %shift_right_arithmetic3A_239 : i32 to vector<16xi32>
      %shift_right_arithmetic3A_241 = arith.shrsi %mul3A_238, %shift_right_arithmetic3A_240 : vector<16xi32>
      %mul3A_242 = arith.constant 3 : i32
      %mul3A_243 = vector.broadcast %mul3A_242 : i32 to vector<16xi32>
      %mul3A_244 = arith.muli %shift_right_arithmetic3A_241, %mul3A_243 : vector<16xi32>
      %sub3A_245 = arith.subi %add3A_235, %mul3A_244 : vector<16xi32>
      %get3A_246 = arith.constant 10 : i32
      %get3A_247 = arith.index_cast %get3A_246 : i32 to index
      %get3A_248 = arith.constant 0 : index
      %get3A_249 = tpu.vector_load %arg7[%get3A_247, %get3A_248] {strides = array<i32>} : memref<11x16xi32, #tpu.memory_space<vmem>>, vector<1x16xi32>,
      %get3A_250 = vector.shape_cast %get3A_249 : vector<1x16xi32> to vector<16xi32>
      %eq3A_251 = arith.constant 1 : i32
      %eq3A_252 = vector.broadcast %eq3A_251 : i32 to vector<16xi32>
      %eq3A_253 = arith.cmpi eq, %sub3A_245, %eq3A_252 : vector<16xi32>
      %get3A_254 = arith.constant 9 : i32
      %get3A_255 = arith.index_cast %get3A_254 : i32 to index
      %get3A_256 = arith.constant 0 : index
      %get3A_257 = tpu.vector_load %arg7[%get3A_255, %get3A_256] {strides = array<i32>} : memref<11x16xi32, #tpu.memory_space<vmem>>, vector<1x16xi32>,
      %get3A_258 = vector.shape_cast %get3A_257 : vector<1x16xi32> to vector<16xi32>
      %select_n3A_259 = arith.select %eq3A_253, %get3A_258, %get3A_250 : vector<16xi1>, vector<16xi32>
      %eq3A_260 = arith.constant 0 : i32
      %eq3A_261 = vector.broadcast %eq3A_260 : i32 to vector<16xi32>
      %eq3A_262 = arith.cmpi eq, %sub3A_245, %eq3A_261 : vector<16xi32>
      %get3A_263 = arith.constant 8 : i32
      %get3A_264 = arith.index_cast %get3A_263 : i32 to index
      %get3A_265 = arith.constant 0 : index
      %get3A_266 = tpu.vector_load %arg7[%get3A_264, %get3A_265] {strides = array<i32>} : memref<11x16xi32, #tpu.memory_space<vmem>>, vector<1x16xi32>,
      %get3A_267 = vector.shape_cast %get3A_266 : vector<1x16xi32> to vector<16xi32>
      %select_n3A_268 = arith.select %eq3A_262, %get3A_267, %select_n3A_259 : vector<16xi1>, vector<16xi32>
      %add3A_269 = arith.addi %get3A_196, %shift_right_arithmetic3A_241 : vector<16xi32>
      %mul3A_270 = arith.muli %broadcast_in_dim3A, %select_n3A_268 : vector<16xi32>
      %sub3A_271 = arith.subi %add3A_269, %mul3A_270 : vector<16xi32>
      %add3A_272 = arith.constant 32 : i32
      %add3A_273 = vector.broadcast %add3A_272 : i32 to vector<16xi32>
      %add3A_274 = arith.addi %add3A_273, %iota3A : vector<16xi32>
      %mul3A_275 = arith.constant 21846 : i32
      %mul3A_276 = vector.broadcast %mul3A_275 : i32 to vector<16xi32>
      %mul3A_277 = arith.muli %add3A_274, %mul3A_276 : vector<16xi32>
      %shift_right_arithmetic3A_278 = arith.constant 16 : i32
      %shift_right_arithmetic3A_279 = vector.broadcast %shift_right_arithmetic3A_278 : i32 to vector<16xi32>
      %shift_right_arithmetic3A_280 = arith.shrsi %mul3A_277, %shift_right_arithmetic3A_279 : vector<16xi32>
      %mul3A_281 = arith.constant 3 : i32
      %mul3A_282 = vector.broadcast %mul3A_281 : i32 to vector<16xi32>
      %mul3A_283 = arith.muli %shift_right_arithmetic3A_280, %mul3A_282 : vector<16xi32>
      %sub3A_284 = arith.subi %add3A_274, %mul3A_283 : vector<16xi32>
      %get3A_285 = arith.constant 10 : i32
      %get3A_286 = arith.index_cast %get3A_285 : i32 to index
      %get3A_287 = arith.constant 0 : index
      %get3A_288 = tpu.vector_load %arg7[%get3A_286, %get3A_287] {strides = array<i32>} : memref<11x16xi32, #tpu.memory_space<vmem>>, vector<1x16xi32>,
      %get3A_289 = vector.shape_cast %get3A_288 : vector<1x16xi32> to vector<16xi32>
      %eq3A_290 = arith.constant 1 : i32
      %eq3A_291 = vector.broadcast %eq3A_290 : i32 to vector<16xi32>
      %eq3A_292 = arith.cmpi eq, %sub3A_284, %eq3A_291 : vector<16xi32>
      %get3A_293 = arith.constant 9 : i32
      %get3A_294 = arith.index_cast %get3A_293 : i32 to index
      %get3A_295 = arith.constant 0 : index
      %get3A_296 = tpu.vector_load %arg7[%get3A_294, %get3A_295] {strides = array<i32>} : memref<11x16xi32, #tpu.memory_space<vmem>>, vector<1x16xi32>,
      %get3A_297 = vector.shape_cast %get3A_296 : vector<1x16xi32> to vector<16xi32>
      %select_n3A_298 = arith.select %eq3A_292, %get3A_297, %get3A_289 : vector<16xi1>, vector<16xi32>
      %eq3A_299 = arith.constant 0 : i32
      %eq3A_300 = vector.broadcast %eq3A_299 : i32 to vector<16xi32>
      %eq3A_301 = arith.cmpi eq, %sub3A_284, %eq3A_300 : vector<16xi32>
      %get3A_302 = arith.constant 8 : i32
      %get3A_303 = arith.index_cast %get3A_302 : i32 to index
      %get3A_304 = arith.constant 0 : index
      %get3A_305 = tpu.vector_load %arg7[%get3A_303, %get3A_304] {strides = array<i32>} : memref<11x16xi32, #tpu.memory_space<vmem>>, vector<1x16xi32>,
      %get3A_306 = vector.shape_cast %get3A_305 : vector<1x16xi32> to vector<16xi32>
      %select_n3A_307 = arith.select %eq3A_301, %get3A_306, %select_n3A_298 : vector<16xi1>, vector<16xi32>
      %add3A_308 = arith.addi %get3A_196, %shift_right_arithmetic3A_280 : vector<16xi32>
      %mul3A_309 = arith.muli %broadcast_in_dim3A, %select_n3A_307 : vector<16xi32>
      %sub3A_310 = arith.subi %add3A_308, %mul3A_309 : vector<16xi32>
      %scan3A = arith.constant 0 : i32
      %scan3A_311 = arith.constant 128 : i32
      %scan3A_312 = arith.addi %scan3A, %scan3A_311 : i32
      %scan3A_313 = arith.constant 1 : i32
      %scan3A_314:3 = scf.for %scan3A_322 = %scan3A to %scan3A_312 step %scan3A_313 iter_args(%scan3A_323 = %sub3A_232, %scan3A_324 = %sub3A_271, %scan3A_325 = %sub3A_310) -> (vector<16xi32>, vector<16xi32>, vector<16xi32>)  : i32 {
        %mul3A_326 = arith.constant 48 : i32
        %mul3A_327 = arith.muli %scan3A_322, %mul3A_326 : i32
        %add3A_328 = arith.constant 0 : i32
        %add3A_329 = arith.addi %mul3A_327, %add3A_328 : i32
        %swap3A = arith.index_cast %add3A_329 : i32 to index
        %swap3A_330 = tpu.vector_load %arg6[%swap3A] {strides = array<i32>} : memref<6144xi32, #tpu.memory_space<vmem>>, vector<16xi32>,
        %swap3A_331 = vector.shape_cast %swap3A_330 : vector<16xi32> to vector<16xi32>
        %swap3A_332 = vector.shape_cast %scan3A_323 : vector<16xi32> to vector<16xi32>
        tpu.vector_store %arg6[%swap3A], %swap3A_332 {strides = array<i32>} : memref<6144xi32, #tpu.memory_space<vmem>>, vector<16xi32>,
        %add3A_333 = arith.constant 16 : i32
        %add3A_334 = arith.addi %mul3A_327, %add3A_333 : i32
        %swap3A_335 = arith.index_cast %add3A_334 : i32 to index
        %swap3A_336 = tpu.vector_load %arg6[%swap3A_335] {strides = array<i32>} : memref<6144xi32, #tpu.memory_space<vmem>>, vector<16xi32>,
        %swap3A_337 = vector.shape_cast %swap3A_336 : vector<16xi32> to vector<16xi32>
        %swap3A_338 = vector.shape_cast %scan3A_324 : vector<16xi32> to vector<16xi32>
        tpu.vector_store %arg6[%swap3A_335], %swap3A_338 {strides = array<i32>} : memref<6144xi32, #tpu.memory_space<vmem>>, vector<16xi32>,
        %add3A_339 = arith.constant 32 : i32
        %add3A_340 = arith.addi %mul3A_327, %add3A_339 : i32
        %swap3A_341 = arith.index_cast %add3A_340 : i32 to index
        %swap3A_342 = tpu.vector_load %arg6[%swap3A_341] {strides = array<i32>} : memref<6144xi32, #tpu.memory_space<vmem>>, vector<16xi32>,
        %swap3A_343 = vector.shape_cast %swap3A_342 : vector<16xi32> to vector<16xi32>
        %swap3A_344 = vector.shape_cast %scan3A_325 : vector<16xi32> to vector<16xi32>
        tpu.vector_store %arg6[%swap3A_341], %swap3A_344 {strides = array<i32>} : memref<6144xi32, #tpu.memory_space<vmem>>, vector<16xi32>,
        %add3A_345 = arith.constant 16 : i32
        %add3A_346 = vector.broadcast %add3A_345 : i32 to vector<16xi32>
        %add3A_347 = arith.addi %scan3A_323, %add3A_346 : vector<16xi32>
        %add3A_348 = arith.constant 16 : i32
        %add3A_349 = vector.broadcast %add3A_348 : i32 to vector<16xi32>
        %add3A_350 = arith.addi %scan3A_324, %add3A_349 : vector<16xi32>
        %add3A_351 = arith.constant 16 : i32
        %add3A_352 = vector.broadcast %add3A_351 : i32 to vector<16xi32>
        %add3A_353 = arith.addi %scan3A_325, %add3A_352 : vector<16xi32>
        scf.yield %add3A_347, %add3A_350, %add3A_353 : vector<16xi32>, vector<16xi32>, vector<16xi32>
      }
      %scan3A_315 = arith.constant 128 : i32
      %dma_start3A_316 = arith.constant 65536 : i32
      %dma_start3A_317 = tpu.memref_slice %arg4[%div3A_3, %rem3A_4, %dma_start3A_316] : memref<8x2x71680xi32, #tpu.memory_space<hbm>> -> memref<1x1x6144xi32, #tpu.memory_space<hbm>>
      %dma_start3A_318 = tpu.memref_squeeze %dma_start3A_317 : memref<1x1x6144xi32, #tpu.memory_space<hbm>> -> memref<6144xi32, #tpu.memory_space<hbm>>
      %dma_start3A_319 = arith.constant 65536 : i32
      %dma_start3A_320 = tpu.memref_slice %arg4[%div3A_3, %rem3A_4, %dma_start3A_319] : memref<8x2x71680xi32, #tpu.memory_space<hbm>> -> memref<1x1x6144xi32, #tpu.memory_space<hbm>>
      %dma_start3A_321 = tpu.memref_squeeze %dma_start3A_320 : memref<1x1x6144xi32, #tpu.memory_space<hbm>> -> memref<6144xi32, #tpu.memory_space<hbm>>
      tpu.enqueue_dma source(%arg6 : memref<6144xi32, #tpu.memory_space<vmem>>) target(%dma_start3A_321 : memref<6144xi32, #tpu.memory_space<hbm>>) target_semaphore(%arg13 : memref<!tpu.dma_semaphore, #tpu.memory_space<semaphore_mem>>)
    } else {
    }
    %dma_wait3A_143 = arith.constant 0 : i32
    %dma_wait3A_144 = arith.constant 0 : i32
    %dma_wait3A_145 = arith.constant 0 : i32
    %dma_wait3A_146 = tpu.memref_slice %arg5[%dma_wait3A_145] : memref<32768xi32, #tpu.memory_space<vmem>> -> memref<8192xi32, #tpu.memory_space<vmem>>
    %dma_wait3A_147 = arith.constant 0 : i32
    %dma_wait3A_148 = tpu.memref_slice %arg4[%dma_wait3A_143, %dma_wait3A_144, %dma_wait3A_147] : memref<8x2x71680xi32, #tpu.memory_space<hbm>> -> memref<1x1x8192xi32, #tpu.memory_space<hbm>>
    %dma_wait3A_149 = tpu.memref_squeeze %dma_wait3A_148 : memref<1x1x8192xi32, #tpu.memory_space<hbm>> -> memref<8192xi32, #tpu.memory_space<hbm>>
    %dma_wait3A_150 = arith.constant 0 : i32
    %dma_wait3A_151 = tpu.memref_slice %arg4[%dma_wait3A_143, %dma_wait3A_144, %dma_wait3A_150] : memref<8x2x71680xi32, #tpu.memory_space<hbm>> -> memref<1x1x8192xi32, #tpu.memory_space<hbm>>
    %dma_wait3A_152 = tpu.memref_squeeze %dma_wait3A_151 : memref<1x1x8192xi32, #tpu.memory_space<hbm>> -> memref<8192xi32, #tpu.memory_space<hbm>>
    %dma_wait3A_153 = arith.constant 0 : i32
    %dma_wait3A_154 = tpu.memref_slice %arg5[%dma_wait3A_153] : memref<32768xi32, #tpu.memory_space<vmem>> -> memref<8192xi32, #tpu.memory_space<vmem>>
    tpu.wait_dma2 semaphore(%arg13 : memref<!tpu.dma_semaphore, #tpu.memory_space<semaphore_mem>>) src(%dma_wait3A_154 : memref<8192xi32, #tpu.memory_space<vmem>>) dst(%dma_wait3A_152 : memref<8192xi32, #tpu.memory_space<hbm>>)
    %dma_wait3A_155 = arith.constant 0 : i32
    %dma_wait3A_156 = arith.constant 0 : i32
    %dma_wait3A_157 = arith.constant 8192 : i32
    %dma_wait3A_158 = tpu.memref_slice %arg5[%dma_wait3A_157] : memref<32768xi32, #tpu.memory_space<vmem>> -> memref<8192xi32, #tpu.memory_space<vmem>>
    %dma_wait3A_159 = arith.constant 0 : i32
    %dma_wait3A_160 = tpu.memref_slice %arg4[%dma_wait3A_155, %dma_wait3A_156, %dma_wait3A_159] : memref<8x2x71680xi32, #tpu.memory_space<hbm>> -> memref<1x1x8192xi32, #tpu.memory_space<hbm>>
    %dma_wait3A_161 = tpu.memref_squeeze %dma_wait3A_160 : memref<1x1x8192xi32, #tpu.memory_space<hbm>> -> memref<8192xi32, #tpu.memory_space<hbm>>
    %dma_wait3A_162 = arith.constant 0 : i32
    %dma_wait3A_163 = tpu.memref_slice %arg4[%dma_wait3A_155, %dma_wait3A_156, %dma_wait3A_162] : memref<8x2x71680xi32, #tpu.memory_space<hbm>> -> memref<1x1x8192xi32, #tpu.memory_space<hbm>>
    %dma_wait3A_164 = tpu.memref_squeeze %dma_wait3A_163 : memref<1x1x8192xi32, #tpu.memory_space<hbm>> -> memref<8192xi32, #tpu.memory_space<hbm>>
    %dma_wait3A_165 = arith.constant 8192 : i32
    %dma_wait3A_166 = tpu.memref_slice %arg5[%dma_wait3A_165] : memref<32768xi32, #tpu.memory_space<vmem>> -> memref<8192xi32, #tpu.memory_space<vmem>>
    tpu.wait_dma2 semaphore(%arg13 : memref<!tpu.dma_semaphore, #tpu.memory_space<semaphore_mem>>) src(%dma_wait3A_166 : memref<8192xi32, #tpu.memory_space<vmem>>) dst(%dma_wait3A_164 : memref<8192xi32, #tpu.memory_space<hbm>>)
    %dma_wait3A_167 = arith.constant 0 : i32
    %dma_wait3A_168 = arith.constant 0 : i32
    %dma_wait3A_169 = arith.constant 16384 : i32
    %dma_wait3A_170 = tpu.memref_slice %arg5[%dma_wait3A_169] : memref<32768xi32, #tpu.memory_space<vmem>> -> memref<8192xi32, #tpu.memory_space<vmem>>
    %dma_wait3A_171 = arith.constant 0 : i32
    %dma_wait3A_172 = tpu.memref_slice %arg4[%dma_wait3A_167, %dma_wait3A_168, %dma_wait3A_171] : memref<8x2x71680xi32, #tpu.memory_space<hbm>> -> memref<1x1x8192xi32, #tpu.memory_space<hbm>>
    %dma_wait3A_173 = tpu.memref_squeeze %dma_wait3A_172 : memref<1x1x8192xi32, #tpu.memory_space<hbm>> -> memref<8192xi32, #tpu.memory_space<hbm>>
    %dma_wait3A_174 = arith.constant 0 : i32
    %dma_wait3A_175 = tpu.memref_slice %arg4[%dma_wait3A_167, %dma_wait3A_168, %dma_wait3A_174] : memref<8x2x71680xi32, #tpu.memory_space<hbm>> -> memref<1x1x8192xi32, #tpu.memory_space<hbm>>
    %dma_wait3A_176 = tpu.memref_squeeze %dma_wait3A_175 : memref<1x1x8192xi32, #tpu.memory_space<hbm>> -> memref<8192xi32, #tpu.memory_space<hbm>>
    %dma_wait3A_177 = arith.constant 16384 : i32
    %dma_wait3A_178 = tpu.memref_slice %arg5[%dma_wait3A_177] : memref<32768xi32, #tpu.memory_space<vmem>> -> memref<8192xi32, #tpu.memory_space<vmem>>
    tpu.wait_dma2 semaphore(%arg13 : memref<!tpu.dma_semaphore, #tpu.memory_space<semaphore_mem>>) src(%dma_wait3A_178 : memref<8192xi32, #tpu.memory_space<vmem>>) dst(%dma_wait3A_176 : memref<8192xi32, #tpu.memory_space<hbm>>)
    %dma_wait3A_179 = arith.constant 0 : i32
    %dma_wait3A_180 = arith.constant 0 : i32
    %dma_wait3A_181 = arith.constant 24576 : i32
    %dma_wait3A_182 = tpu.memref_slice %arg5[%dma_wait3A_181] : memref<32768xi32, #tpu.memory_space<vmem>> -> memref<8192xi32, #tpu.memory_space<vmem>>
    %dma_wait3A_183 = arith.constant 0 : i32
    %dma_wait3A_184 = tpu.memref_slice %arg4[%dma_wait3A_179, %dma_wait3A_180, %dma_wait3A_183] : memref<8x2x71680xi32, #tpu.memory_space<hbm>> -> memref<1x1x8192xi32, #tpu.memory_space<hbm>>
    %dma_wait3A_185 = tpu.memref_squeeze %dma_wait3A_184 : memref<1x1x8192xi32, #tpu.memory_space<hbm>> -> memref<8192xi32, #tpu.memory_space<hbm>>
    %dma_wait3A_186 = arith.constant 0 : i32
    %dma_wait3A_187 = tpu.memref_slice %arg4[%dma_wait3A_179, %dma_wait3A_180, %dma_wait3A_186] : memref<8x2x71680xi32, #tpu.memory_space<hbm>> -> memref<1x1x8192xi32, #tpu.memory_space<hbm>>
    %dma_wait3A_188 = tpu.memref_squeeze %dma_wait3A_187 : memref<1x1x8192xi32, #tpu.memory_space<hbm>> -> memref<8192xi32, #tpu.memory_space<hbm>>
    %dma_wait3A_189 = arith.constant 24576 : i32
    %dma_wait3A_190 = tpu.memref_slice %arg5[%dma_wait3A_189] : memref<32768xi32, #tpu.memory_space<vmem>> -> memref<8192xi32, #tpu.memory_space<vmem>>
    tpu.wait_dma2 semaphore(%arg13 : memref<!tpu.dma_semaphore, #tpu.memory_space<semaphore_mem>>) src(%dma_wait3A_190 : memref<8192xi32, #tpu.memory_space<vmem>>) dst(%dma_wait3A_188 : memref<8192xi32, #tpu.memory_space<hbm>>)
    %convert_element_type3A_191 = arith.extui %eq3A : i1 to i32
    %cond3A_192 = arith.constant 0 : i32
    %cond3A_193 = arith.cmpi ne, %convert_element_type3A_191, %cond3A_192 : i32
    scf.if %cond3A_193 {
      %dma_wait3A_194 = arith.constant 0 : i32
      %dma_wait3A_195 = arith.constant 0 : i32
      %dma_wait3A_196 = arith.constant 65536 : i32
      %dma_wait3A_197 = tpu.memref_slice %arg4[%dma_wait3A_194, %dma_wait3A_195, %dma_wait3A_196] : memref<8x2x71680xi32, #tpu.memory_space<hbm>> -> memref<1x1x6144xi32, #tpu.memory_space<hbm>>
      %dma_wait3A_198 = tpu.memref_squeeze %dma_wait3A_197 : memref<1x1x6144xi32, #tpu.memory_space<hbm>> -> memref<6144xi32, #tpu.memory_space<hbm>>
      %dma_wait3A_199 = arith.constant 65536 : i32
      %dma_wait3A_200 = tpu.memref_slice %arg4[%dma_wait3A_194, %dma_wait3A_195, %dma_wait3A_199] : memref<8x2x71680xi32, #tpu.memory_space<hbm>> -> memref<1x1x6144xi32, #tpu.memory_space<hbm>>
      %dma_wait3A_201 = tpu.memref_squeeze %dma_wait3A_200 : memref<1x1x6144xi32, #tpu.memory_space<hbm>> -> memref<6144xi32, #tpu.memory_space<hbm>>
      tpu.wait_dma2 semaphore(%arg13 : memref<!tpu.dma_semaphore, #tpu.memory_space<semaphore_mem>>) src(%arg6 : memref<6144xi32, #tpu.memory_space<vmem>>) dst(%dma_wait3A_201 : memref<6144xi32, #tpu.memory_space<hbm>>)
    } else {
    }
    return
  }
}

module attributes {stable_mosaic.version = 14 : i64} {
  func.func @body(%arg0: i32, %arg1: memref<1x1x65536xf32, #tpu.memory_space<vmem>>, %arg2: memref<1x1x71680xf32, #tpu.memory_space<vmem>>) attributes {dimension_semantics = [#tpu.dimension_semantics<arbitrary>], iteration_bounds = array<i64: 8>, scalar_prefetch = 0 : i64, scratch_operands = 0 : i64, tpu.core_type = #tpu.core_type<tc>, window_params = [{transform_indices = @transform_0, window_bounds = array<i64: 1, 1, 65536>}, {transform_indices = @transform_1, window_bounds = array<i64: 1, 1, 71680>}]} {
    %get3A = arith.constant 0 : index
    %get3A_0 = arith.constant 0 : index
    %get3A_1 = arith.constant 0 : index
    %get3A_2 = vector.load %arg1[%get3A, %get3A_0, %get3A_1] : memref<1x1x65536xf32, #tpu.memory_space<vmem>>, vector<1x1x65536xf32>
    %swap3A = arith.constant 0 : index
    %swap3A_3 = arith.constant 0 : index
    %swap3A_4 = arith.constant 0 : index
    %swap3A_5 = vector.load %arg2[%swap3A, %swap3A_3, %swap3A_4] : memref<1x1x71680xf32, #tpu.memory_space<vmem>>, vector<1x1x65536xf32>
    tpu.vector_store %arg2[%swap3A, %swap3A_3, %swap3A_4], %get3A_2 {strides = array<i32>} : memref<1x1x71680xf32, #tpu.memory_space<vmem>>, vector<1x1x65536xf32>,
    %broadcast_in_dim3A = arith.constant 0.000000e+00 : f32
    %broadcast_in_dim3A_6 = vector.broadcast %broadcast_in_dim3A : f32 to vector<1x1x6144xf32>
    %swap3A_7 = arith.constant 0 : index
    %swap3A_8 = arith.constant 0 : index
    %swap3A_9 = arith.constant 65536 : index
    %swap3A_10 = vector.load %arg2[%swap3A_7, %swap3A_8, %swap3A_9] : memref<1x1x71680xf32, #tpu.memory_space<vmem>>, vector<1x1x6144xf32>
    tpu.vector_store %arg2[%swap3A_7, %swap3A_8, %swap3A_9], %broadcast_in_dim3A_6 {strides = array<i32>} : memref<1x1x71680xf32, #tpu.memory_space<vmem>>, vector<1x1x6144xf32>,
    return
  }
  func.func @transform_0(%arg0: i32) -> (i32, i32, i32) {
    %c0_i32 = arith.constant 0 : i32
    %c0_i32_0 = arith.constant 0 : i32
    %c0_i32_1 = arith.constant 0 : i32
    return %arg0, %c0_i32, %c0_i32_0 : i32, i32, i32
  }
  func.func @transform_1(%arg0: i32) -> (i32, i32, i32) {
    %c0_i32 = arith.constant 0 : i32
    %c0_i32_0 = arith.constant 0 : i32
    %c0_i32_1 = arith.constant 0 : i32
    return %arg0, %c0_i32, %c0_i32_0 : i32, i32, i32
  }
}

</mosaic_0001>

<sc_bundles>
// kernel: kernel.4.cloned.1.call-start
scs
__scs_entry_jumppad:
0x0: {  	(pc) =	sbr.rel $0x88, $3  }
0x1: {  	(tag) =	ssettag $0x0;
	lr =	simm.s32 $0x1  }
0x2: {  	[smem:$0x3F9C] =	sst lr;
	_ =	strace $0xD0000000  }
0x3: {  	_ = 	snop  }
0x4: {  	_ = 	snop  }
0x5: {  	_ = 	snop  }
0x6: {  	_ = 	snop  }
0x7: {  	_ = 	snop  }
__scs_overlays_trampoline_lowered:
0x8: {  	[smem:$0x3FAB] =	sst s0  }
0x9: {  	[smem:$0x3FAC] =	sst s1  }
0xa: {  	[smem:$0x3FAD] =	sst s2  }
0xb: {  	[smem:$0x3FAE] =	sst s3  }
0xc: {  	[smem:$0x3FAF] =	sst s4  }
0xd: {  	[smem:$0x3FB0] =	sst s5  }
0xe: {  	[smem:$0x3FB1] =	sst s6  }
0xf: {  	[smem:$0x3FB2] =	sst s7  }
0x10: {  	[smem:$0x3FB3] =	sst s8  }
0x11: {  	[smem:$0x3FB4] =	sst s9;
	s0 =	simm.s32 @!p0 $0x0  }
0x12: {  	s1 =	sld [smem:$0x3F9A];
	s0 =	simm.s32 @p0 $0x1  }
0x13: {  	[smem:$0x3FB5] =	sst s0;
	s0 =	simm.s32 @!p1 $0x0  }
0x14: {  	s2 =	sld [smem:$0x3F99];
	s0 =	simm.s32 @p1 $0x1  }
0x15: {  	[smem:$0x3FB6] =	sst s0;
	s0 =	simm.s32 @!p2 $0x0  }
0x16: {  	s3 =	sld [smem:$0x3FDB];
	s0 =	simm.s32 @p2 $0x1  }
0x17: {  	s4 =	simm.s32 $0x1BF5;
	[smem:$0x3FB8] =	sst s0  }
0x18: {  	s0 =	sld [smem:$0x3F9B];
	_ =	swait.ge [sflag:s4], $0x0  }
0x19: {  	s7 =	sld [smem:$0x3F9C]  }
0x1a: {  	s8 =	sadd.s32 $0xFFFFE003, lr  }
0x1b: {  	s9 =	sadd.s32 $0xFFFFFEF7, lr;
	s5 =	simm.s32 $0xFFFFFFFF;
	p2 =	slt.u32 s8, $0xFFFFF086  }
0x1c: {  	p1 =	slt.u32 s9, $0xF7A;
	s5 =	simm.s32 @!p2 $0x0  }
0x1d: {  	s5 =	simm.s32 @p1 $0x1;
	p0 =	seq.s32 s7, s2  }
0x1e: {  	s7 =	smul.u32 @!p0 $0xF7A, s2;
	p2 =	seq.s32 @!p0 s5, $0x0  }
0x1f: {  	s9 =	smul.u32 $0xF7A, s1;
	s8 =	simm.s32 @!p0 $0x1BF5;
	p2 =	por !p2, p0  }
0x20: {  	[sflag:s8] =	ssyncset.s32 @!p0 $0xFFFFF086;
	s6 =	sadd.s32 @!p0 s3, s7;
	s7 =	simm.s32 @!p0 $0x108  }
0x21: {  	s3 =	sadd.s32 s3, s9;
	s6 =	sadd.s32 @!p0 $0x88, s6;
	s7 =	simm.s32 @p2 $0x1082  }
0x22: {  	[simem:s7], [sflag:s8] =	dma.local @!p0 [hbm:s6], $0xF7A  }
0x23: {  	s9 =	sor.u32 $0xD0000000, s2;
	s6 =	simm.s32 $0x108;
	_ =	swait.ge @!p0 [sflag:s8], $0x0  }
0x24: {  	s3 =	sadd.s32 $0x88, s3;
	s6 =	simm.s32 @!p1 $0x1082;
	[sflag:s4] =	ssyncset.s32 $0xFFFFF086  }
0x25: {  	[simem:s6], [sflag:s4] =	dma.local [hbm:s3], $0xF7A  }
0x26: {  	[smem:$0x3F9C] =	sst s1;
	(tag) =	ssettag s2;
	_ =	strace s9  }
0x27: {  	s1 =	sld [smem:$0x3FAC]  }
0x28: {  	s2 =	sld [smem:$0x3FAD]  }
0x29: {  	s4 =	sld [smem:$0x3FAF]  }
0x2a: {  	p0 =	seq.s32 s5, $0x0;
	s5 =	sld [smem:$0x3FB0]  }
0x2b: {  	s6 =	sld [smem:$0x3FB1]  }
0x2c: {  	s7 =	sld [smem:$0x3FB2]  }
0x2d: {  	s3 =	simm.s32 $0x108;
	s8 =	sld [smem:$0x3FB3]  }
0x2e: {  	s3 =	simm.s32 @!p0 $0x1082;
	s9 =	sld [smem:$0x3FB4]  }
0x2f: {  	lr =	sadd.s32 s0, s3;
	s0 =	sld [smem:$0x3FAB]  }
0x30: {  	s3 =	sld [smem:$0x3FAE]  }
0x31: {  	[smem:$0x3FB7] =	sst s10  }
0x32: {  	s10 =	sld [smem:$0x3FB5];
	_ =	sdelay $0x3  }
0x33: {  	p0 =	seq.s32 s10, $0x1;
	s10 =	sld [smem:$0x3FB7];
	_ =	sdelay $0x3  }
0x34: {  	[smem:$0x3FB7] =	sst s10  }
0x35: {  	s10 =	sld [smem:$0x3FB6];
	_ =	sdelay $0x3  }
0x36: {  	p1 =	seq.s32 s10, $0x1;
	s10 =	sld [smem:$0x3FB7];
	_ =	sdelay $0x3  }
0x37: {  	[smem:$0x3FB7] =	sst s10  }
0x38: {  	s10 =	sld [smem:$0x3FB8]  }
0x39: {  	_ = 	snop;
	(pc) =	sbr.ind lr, $3  }
0x3a: {  	_ = 	snop  }
0x3b: {  	_ = 	snop  }
0x3c: {  	p2 =	seq.s32 s10, $0x1;
	s10 =	sld [smem:$0x3FB7]  }
0x3d: {  	_ =	shalt  }
0x3e: {  	_ =	shalt  }
0x3f: {  	_ =	shalt  }
0x40: {  	_ =	shalt  }
0x41: {  	_ =	shalt  }
0x42: {  	_ =	shalt  }
0x43: {  	_ =	shalt  }
0x44: {  	_ =	shalt  }
0x45: {  	_ =	shalt  }
0x46: {  	_ =	shalt  }
0x47: {  	_ =	shalt  }
0x48: {  	_ =	shalt  }
0x49: {  	_ =	shalt  }
0x4a: {  	_ =	shalt  }
0x4b: {  	_ =	shalt  }
0x4c: {  	_ =	shalt  }
0x4d: {  	_ =	shalt  }
0x4e: {  	_ =	shalt  }
0x4f: {  	_ =	shalt  }
0x50: {  	_ =	shalt  }
0x51: {  	_ =	shalt  }
0x52: {  	_ =	shalt  }
0x53: {  	_ =	shalt  }
0x54: {  	_ =	shalt  }
0x55: {  	_ =	shalt  }
0x56: {  	_ =	shalt  }
0x57: {  	_ =	shalt  }
0x58: {  	_ =	shalt  }
0x59: {  	_ =	shalt  }
0x5a: {  	_ =	shalt  }
0x5b: {  	_ =	shalt  }
0x5c: {  	_ =	shalt  }
0x5d: {  	_ =	shalt  }
0x5e: {  	_ =	shalt  }
0x5f: {  	_ =	shalt  }
0x60: {  	_ =	shalt  }
0x61: {  	_ =	shalt  }
0x62: {  	_ =	shalt  }
0x63: {  	_ =	shalt  }
0x64: {  	_ =	shalt  }
0x65: {  	_ =	shalt  }
0x66: {  	_ =	shalt  }
0x67: {  	_ =	shalt  }
0x68: {  	_ =	shalt  }
0x69: {  	_ =	shalt  }
0x6a: {  	_ =	shalt  }
0x6b: {  	_ =	shalt  }
0x6c: {  	_ =	shalt  }
0x6d: {  	_ =	shalt  }
0x6e: {  	_ =	shalt  }
0x6f: {  	_ =	shalt  }
0x70: {  	_ =	shalt  }
0x71: {  	_ =	shalt  }
0x72: {  	_ =	shalt  }
0x73: {  	_ =	shalt  }
0x74: {  	_ =	shalt  }
0x75: {  	_ =	shalt  }
0x76: {  	_ =	shalt  }
0x77: {  	_ =	shalt  }
0x78: {  	_ =	shalt  }
0x79: {  	_ =	shalt  }
0x7a: {  	_ =	shalt  }
0x7b: {  	_ =	shalt  }
0x7c: {  	_ =	shalt  }
0x7d: {  	_ =	shalt  }
0x7e: {  	_ =	shalt  }
0x7f: {  	_ =	shalt  }
0x80: {  	_ =	shalt  }
0x81: {  	_ =	shalt  }
0x82: {  	_ =	shalt  }
0x83: {  	_ =	shalt  }
0x84: {  	_ =	shalt  }
0x85: {  	_ =	shalt  }
0x86: {  	_ =	shalt  }
0x87: {  	_ =	shalt  }
.Lfunc_end0:
.L_simem_size_0:
called_computation_lowered:
.L_overlay_start_0:
0x88: {  	s2 =	sld [smem:$0x3FD9]  }
0x89: {  	s3 =	sld [smem:$0x3FFE];
	_ =	sdelay $0x1  }
0x8a: {  	s1 =	srdreg.scid  }
0x8b: {  	s0 =	sand.u32 $0x1, s1  }
0x8c: {  	s14 =	sshll.u32 s0, $0xA;
	s2 =	sadd.s32 s3, s2  }
0x8d: {  	s2 =	sadd.s32 s2, s14  }
0x8e: {  	[smem:$0x3FC3] =	sst s2  }
0x8f: {  	_ = 	snop  }
0x90: {  	s2 =	sld [smem:$0x3FD0];
	_ =	sdelay $0x2  }
0x91: {  	s4 =	simm.s32 $0xA;
	s5 =	simm.s32 $0x10;
	s15 =	sld [smem:$0x3FC9]  }
0x92: {  	[smem:s5], [sflag:s4] =	dma.local [hbm:s2], $0x1  }
0x93: {  	_ =	swait.eq [sflag:s4], $0x1  }
0x94: {  	[sflag:s4] =	ssyncset.done $0x0  }
0x95: {  	[sflag:s4] =	ssyncadd.s32 $0xFFFFFFFF  }
0x96: {  	s16 =	sld [smem:$0x10];
	(tm) =	ssettm $0x1  }
0x97: {  	s17 =	sld [smem:$0x3FFB];
	_ =	sdelay $0x3  }
0x98: {  	_ =	strace s17  }
0x99: {  	s4 =	sld [smem:$0x3FFC];
	_ =	sdelay $0x3  }
0x9a: {  	_ =	strace s4  }
0x9b: {  	s4 =	sld [smem:$0x3FFD];
	_ =	sdelay $0x3  }
0x9c: {  	_ =	strace s4  }
0x9d: {  	_ =	strace $0x8FFFFFFF  }
0x9e: {  	s18 =	sld [smem:$0x3FDB];
	_ =	sdelay $0x1  }
0x9f: {  	s19 =	simm.s32 $_scs_section_size  }
0xa0: {  	s6 =	simm.s32 $_size__tile_overlayer_lowered;
	s7 =	simm.s32 $_tile_overlayer_lowered  }
0xa1: {  	s22 =	simm.s32 $0x1BFF;
	s21 =	sshll.u32 s7, $0x1;
	s4 =	sadd.s32 s19, s18  }
0xa2: {  	s8 =	simm.s32 $0x0;
	s20 =	sshll.u32 s6, $0x1;
	s6 =	sadd.s32 s21, s4  }
0xa3: {  	[timem:s8], [sflag:s22] =	dma.local [hbm:s6], s20  }
0xa4: {  	_ =	swait.ge [sflag:s22], s20  }
0xa5: {  	s5 =	ssub.s32 $0x0, s20;
	[sflag:s22] =	ssyncset.done $0x0  }
0xa6: {  	[sflag:s22] =	ssyncadd.s32 s5;
	_ =	sdelay $0x1  }
0xa7: {  	s23 =	simm.s32 $0x1B8B  }
0xa8: {  	_ =	swait.ge [sflag:s23], $0x1  }
0xa9: {  	[sflag:s23] =	ssyncset.done $0x0  }
0xaa: {  	s25 =	simm.s32 $0x1B8E;
	s24 =	sld [smem:$0x3FFE];
	[sflag:s23] =	ssyncadd.s32 $0xFFFFFFFF  }
0xab: {  	s26 =	simm.s32 $execute0_lowered;
	[smem:$0x3FD2] =	sst s25  }
0xac: {  	s6 =	sshll.u32 s26, $0x1;
	_ =	strace $0x80000046;
	[dreg:$0x1] =	wrdreg $0xFFFFFFFF  }
0xad: {  	s28 =	simm.s32 $_size_execute0_lowered;
	s4 =	sadd.s32 s4, s6;
	[dreg:$0x0] =	wrdreg $0x0  }
0xae: {  	s6 =	sshll.u32 s28, $0x1;
	[dreg:$0x2] =	wrdreg s4  }
0xaf: {  	[dreg:$0x3] =	wrdreg s6  }
0xb0: {  	[dreg:$0x4] =	wrdreg $0xC0  }
0xb1: {  	_ =	task [dreg:s8], $0x5FFFF  }
0xb2: {  	[dreg:$0x1] =	wrdreg $0xFFFFFFFF  }
0xb3: {  	[dreg:$0x0] =	wrdreg $0x60  }
0xb4: {  	[dreg:$0x2] =	wrdreg s15  }
0xb5: {  	[dreg:$0x3] =	wrdreg s24  }
0xb6: {  	[dreg:$0x4] =	wrdreg s16  }
0xb7: {  	[dreg:$0x5] =	wrdreg $0x9  }
0xb8: {  	_ =	task.clear_ibuf [dreg:s8], $0x6FFFF;
	_ =	strace $0x90000046  }
0xb9: {  	s29 =	simm.s32 $0x9;
	_ =	strace $0x80000048  }
0xba: {  	_ =	swait.ge [sflag:s29], $0x1  }
0xbb: {  	[sflag:s29] =	ssyncadd.s32 $0xFFFFFFFF  }
0xbc: {  	_ =	strace $0x90000048  }
0xbd: {  	_ =	sfence  }
0xbe: {  	s30 =	sld [smem:$0x0];
	_ =	sdelay $0x2  }
0xbf: {  	s31 =	sshll.u32 s1, $0xD;
	s1 =	sshrl.u32 s1, $0x2  }
0xc0: {  	s3 =	sand.u32 $0x4000, s31;
	s1 =	sadd.s32 s1, s30  }
0xc1: {  	s0 =	sor.u32 s3, s0;
	s1 =	sshll.u32 s1, $0x11  }
0xc2: {  	s0 =	sor.u32 s1, s0  }
0xc3: {  	s0 =	sadd.s32 $0x8F2B, s0  }
0xc4: {  	[sflag:s0] =	ssyncadd.remote.s32 $0x1  }
0xc5: {  	_ =	sfence.sel $0xFFFF  }
0xc6: {  	[dreg:$0x0] =	wrdreg $0xFFFFFFFF;
	(pc) =	sbr.abs _section_cstart, $3  }
0xc7: {  	[dreg:$0x1] =	wrdreg $0xFFFFFFFF  }
0xc8: {  	_ =	task.clear_ibuf [dreg:s8], $0x2FFFF;
	_ =	strace $0x9FFFFFFF  }
0xc9: {  	(tm) =	ssettm $0x7FFFFFFF  }
tec
execute0_lowered:
.L_overlay_start_1:
0x0: {  	(tag) =	ssettag $0x1  }
0x1: {  	s7 =	rddreg [dreg:$0x0]  }
0x2: {  	s2 =	rddreg [dreg:$0x1]  }
0x3: {  	s12 =	rddreg [dreg:$0x2]  }
0x4: {  	s0 =	rddreg [dreg:$0x3];
	s1 =	simm.s32 $0x0  }
0x5: {  	s4 =	srdreg.scid;
	s20 =	simm.s32 $0x2;
	s21 =	simm.s32 $0x3  }
0x6: {  	vm0 =	vcmask $0x1714;
	vm1 =	vcmask $0xB08;
	v0 =	vimm.s32 $0xFEA540;
	s22 =	simm.s32 $0x4;
	s23 =	simm.s32 $0x5;
	s28 =	simm.s32 $0x0  }
0x7: {  	vm2 =	vcmask $0xF0C;
	vm3 =	vcmask $0x33C;
	v1 =	vimm.s32 $0x77766655;
	[smem:$0x7FF] =	sst s1;
	s3 =	sadd.s32 $0x600, s2;
	s2 =	stileid.u32  }
0x8: {  	vm4 =	vcmask $0x130C;
	vm5 =	vcmask $0x73C;
	v2 =	vimm.s32 $0x9080808;
	s14 =	sand.u32 $0x1, s4;
	_ =	strace $0x80000047;
	s13 =	sshrl.u32 s2, $0x1  }
0x9: {  	v3 =	vimm.s32 $0xDCCCBBBA;
	vm6 =	vcmask $0x338;
	vm0 =	vmor vm1, vm0;
	s15 =	sand.u32 $0x1, s2;
	s4 =	ssub.s32 $0x2, s14;
	s8 =	sshll.u32 s14, $0x10  }
0xa: {  	vm1 =	vcmask $0x2320;
	v0 =	vunpack.c.l.s2.s4 v0;
	vm2 =	vmor vm3, vm2;
	s5 =	sshll.u32 s13, $0x11;
	s10 =	sshll.u32 s15, $0x7;
	s6 =	sshrl.u32 s4, $0x1  }
0xb: {  	vm3 =	vcmask $0x1B18;
	v1 =	vunpack.c.l.s4.s8 v1;
	vm4 =	vmor vm5, vm4;
	s11 =	sor.u32 $0x4000, s8;
	s17 =	sor.u32 $0x8000, s8;
	s18 =	smul.u32 $0x23000, s13  }
0xc: {  	vm5 =	vcmask $0x1F18;
	vm0 =	vmor vm0, vm1;
	vm1 =	vcmask $0x2F2C;
	s19 =	sor.u32 $0xC000, s8;
	p0 =	sne.s32 s14, s15;
	s9 =	sor.u32 s5, s10  }
0xd: {  	vm0 =	vmor vm0, vm1;
	v0 =	vunpack.c.l.s4.s8 v0;
	vm1 =	vcmask $0x3B38;
	s14 =	simm.s32 $0x80;
	s16 =	ssub.s32 s4, s6;
	s24 =	sor.u32 s8, s9  }
0xe: {  	v2 =	vunpack.c.0.s8.s32 v2;
	v1 =	vunpack.c.0.s8.s32 v1;
	vm0 =	vmor vm0, vm1;
	s5 =	sor.u32 s11, s9;
	s25 =	sor.u32 s17, s9;
	s8 =	sadd.s32 s8, s18  }
0xf: {  	vm1 =	vmor vm2, vm3;
	vm3 =	vcmask $0x2724;
	v0 =	vunpack.c.0.s8.s32 v0;
	s9 =	sor.u32 s19, s9;
	s11 =	sadd.s32 s11, s18;
	s29 =	sadd.s32 s17, s18  }
0x10: {  	v3 =	vunpack.c.l.s4.s8 v3;
	vm2 =	vcmask $0x2F00;
	vm1 =	vmor vm1, vm3;
	s30 =	sadd.s32 s19, s18;
	s19 =	simm.s32 $0x1;
	s4 =	sshrl.u32 s24, $0x3  }
0x11: {  	v1 =	vand.u32 $0xF, v1;
	vm3 =	vcmask $0x1F00;
	s5 =	sshrl.u32 s5, $0x3;
	s6 =	sshrl.u32 s25, $0x3;
	s8 =	sor.u32 s10, s8;
	v0 =	vand.u32 $0x3, v0  }
0x12: {  	s9 =	sshrl.u32 s9, $0x3;
	s11 =	sor.u32 s10, s11;
	s17 =	sor.u32 s10, s30;
	v1 =	vnsel vm3, $0xA, v1;
	v0 =	vnsel vm2, $0x5, v0;
	vm2 =	vcmask $0x3B30  }
0x13: {  	s24 =	sshll.u32 s13, $0x9;
	s13 =	smax.u32 s16, $0x1;
	s16 =	simm.s32 $0x2000;
	v0 =	vsel vm2, $0x4, v0;
	vm2 =	vmor vm4, vm5;
	vm5 =	vcmask $0x2F20  }
0x14: {  	s25 =	simm.s32 $0x8000;
	s4 =	sadd.s32 s7, s4;
	s5 =	sadd.s32 s7, s5;
	vm4 =	vcmask $0x2B24;
	v2 =	vsel vm5, v2, v1;
	v1 =	vunpack.c.0.s8.s32 v3  }
0x15: {  	vm15 =	vcmask $0x3330;
	s6 =	sadd.s32 s7, s6;
	s8 =	sshrl.u32 s8, $0x3;
	s7 =	sadd.s32 s7, s9;
	vm2 =	vmor vm2, vm4;
	v3 =	vimm.s32 $0xE0E0D0D  }
0x16: {  	s26 =	sshrl.u32 s11, $0x3;
	s11 =	sor.u32 s10, s29;
	s10 =	sor.u32 s10, s18;
	vm4 =	vcmask $0xF08;
	v3 =	vunpack.c.0.s8.s32 v3;
	v4 =	vand.u32 $0xF, v1  }
.Ltmp0:
0x17: {  	vm1 =	vmor vm1, vm15;
	s17 =	sshrl.u32 s17, $0x3;
	s24 =	sshrl.u32 s24, $0x2;
	vm4 =	vmor vm6, vm4;
	v4 =	vnsel vm3, $0xF, v4;
	(pc) =	sbr.rel .LBB2_1-.Ltmp0, $4  }
0x18: {  	s8 =	sadd.s32 s12, s8;
	s9 =	sadd.s32 s12, s26;
	s11 =	sshrl.u32 s11, $0x3;
	v1 =	vmov s15;
	vm3 =	vcmask $0x1B14;
	v3 =	vsel vm5, v3, v4  }
0x19: {  	s18 =	sadd.s32 $0x20000, s10;
	s26 =	simm.s32 $0x6;
	s10 =	sadd.s32 s12, s11;
	vm5 =	vcmask $0x3730;
	vm3 =	vmor vm4, vm3;
	vm4 =	vcmask $0x2720  }
0x1a: {  	s11 =	sadd.s32 s12, s17;
	s31 =	sshrl.u32 s18, $0x3;
	s17 =	simm.s32 $0x4000;
	vm2 =	vmor vm2, vm5;
	vm3 =	vmor vm3, vm4;
	vm4 =	vcmask $0x332C  }
0x1b: {  	s18 =	simm.s32 $0x6000;
	s12 =	sadd.s32 s12, s31;
	s15 =	simm.s32 $0x100;
	v2 =	vsel vm5, $0x9, v2;
	v3 =	vsel vm15, $0xE, v3;
	vm3 =	vmor vm3, vm4  }
.LBB2_4:
0x1c: {  	[hbm4b:s12+s14] =	stream.strided.scatter [tilespmem:s25], [sflag:$0x6], $0x1800, s15, s14, $0x38;
	[tilespmem:$0xA000] =	vst v63  }
.LBB2_5:
0x1d: {  	_ =	swait.ge [sflag:s26], $0x2000  }
0x1e: {  	[sflag:s26] =	ssyncset.done $0x0  }
0x1f: {  	[sflag:s26] =	ssyncadd.s32 $0xFFFFE000  }
0x20: {  	_ =	swait.ge [sflag:s26], $0x2000  }
0x21: {  	[sflag:s26] =	ssyncset.done $0x0  }
0x22: {  	[sflag:s26] =	ssyncadd.s32 $0xFFFFE000  }
0x23: {  	_ =	swait.ge [sflag:s26], $0x2000  }
0x24: {  	[sflag:s26] =	ssyncset.done $0x0  }
0x25: {  	s28 =	sadd.s32 $0x1, s28;
	[sflag:s26] =	ssyncadd.s32 $0xFFFFE000  }
0x26: {  	p1 =	sne.s32 s28, s13;
	_ =	swait.ge [sflag:s26], $0x2000  }
.Ltmp1:
0x27: {  	[sflag:s26] =	ssyncset.done $0x0;
	(pc) =	sbr.rel @!p1 .LBB2_6-.Ltmp1, $4  }
0x28: {  	s29 =	simm.s32 @!p0 $0x6;
	[sflag:s26] =	ssyncadd.s32 $0xFFFFE000  }
0x29: {  	_ =	swait.ge @!p0 [sflag:s29], $0x1800  }
0x2a: {  	[sflag:s29] =	ssyncset.done @!p0 $0x0  }
0x2b: {  	[sflag:s29] =	ssyncadd.s32 @!p0 $0xFFFFE800  }
.LBB2_1:
0x2c: {  	s29 =	simm.s32 @!p0 $0x0;
	s30 =	simm.s32 @!p0 $0x9800  }
0x2d: {  	[tilespmem:s30], [sflag:$0x5] =	stream.linear.gather @!p0 [hbm4b:s3+s29], $0x580, $0x38;
	[tilespmem:$0xA000] =	vst v63  }
0x2e: {  	_ = 	snop  }
0x2f: {  	[tilespmem:s1], [sflag:$0x1] =	stream.strided.gather [hbm4b:s4+s14], $0x2000, s15, s14, $0x38;
	[tilespmem:$0xA000] =	vst v63  }
0x30: {  	_ = 	snop  }
0x31: {  	[tilespmem:s16], [sflag:$0x2] =	stream.strided.gather [hbm4b:s5+s14], $0x2000, s15, s14, $0x38;
	[tilespmem:$0xA000] =	vst v63  }
0x32: {  	_ = 	snop  }
0x33: {  	[tilespmem:s17], [sflag:$0x3] =	stream.strided.gather [hbm4b:s6+s14], $0x2000, s15, s14, $0x38;
	[tilespmem:$0xA000] =	vst v63  }
0x34: {  	_ = 	snop  }
0x35: {  	[tilespmem:s18], [sflag:$0x4] =	stream.strided.gather [hbm4b:s7+s14], $0x2000, s15, s14, $0x38;
	[tilespmem:$0xA000] =	vst v63  }
0x36: {  	_ =	swait.ge [sflag:s19], $0x2000  }
0x37: {  	[sflag:s19] =	ssyncset.done $0x0  }
0x38: {  	[sflag:s19] =	ssyncadd.s32 $0xFFFFE000  }
0x39: {  	[hbm4b:s8+s14] =	stream.strided.scatter [tilespmem:s1], [sflag:$0x6], $0x2000, s15, s14, $0x38;
	[tilespmem:$0xA000] =	vst v63  }
0x3a: {  	_ =	swait.ge [sflag:s20], $0x2000  }
0x3b: {  	[sflag:s20] =	ssyncset.done $0x0  }
0x3c: {  	[sflag:s20] =	ssyncadd.s32 $0xFFFFE000  }
0x3d: {  	[hbm4b:s9+s14] =	stream.strided.scatter [tilespmem:s16], [sflag:$0x6], $0x2000, s15, s14, $0x38;
	[tilespmem:$0xA000] =	vst v63  }
0x3e: {  	_ =	swait.ge [sflag:s21], $0x2000  }
0x3f: {  	[sflag:s21] =	ssyncset.done $0x0  }
0x40: {  	[sflag:s21] =	ssyncadd.s32 $0xFFFFE000  }
0x41: {  	[hbm4b:s10+s14] =	stream.strided.scatter [tilespmem:s17], [sflag:$0x6], $0x2000, s15, s14, $0x38;
	[tilespmem:$0xA000] =	vst v63  }
.Ltmp2:
0x42: {  	_ = 	snop;
	(pc) =	sbr.rel @p0 .LBB2_5-.Ltmp2, $4  }
0x43: {  	_ =	swait.ge [sflag:s22], $0x2000  }
0x44: {  	[sflag:s22] =	ssyncset.done $0x0  }
0x45: {  	[sflag:s22] =	ssyncadd.s32 $0xFFFFE000  }
0x46: {  	[hbm4b:s11+s14] =	stream.strided.scatter [tilespmem:s18], [sflag:$0x6], $0x2000, s15, s14, $0x38;
	[tilespmem:$0xA000] =	vst v63  }
0x47: {  	_ =	swait.ge [sflag:s23], $0x580  }
0x48: {  	[sflag:s23] =	ssyncset.done $0x0  }
0x49: {  	[sflag:s23] =	ssyncadd.s32 $0xFFFFFA80  }
0x4a: {  	v4 =	vld [tilespmem:$0x9D00]  }
0x4b: {  	v5 =	vld [tilespmem:$0x9C80]  }
0x4c: {  	v6 =	vld [tilespmem:$0x9C00];
	_ =	sdelay $0x2  }
0x4d: {  	v7 =	vld [tilespmem:s24+$0x9800]  }
0x4e: {  	v8 =	vsel vm1, v4, v5  }
0x4f: {  	v9 =	vsel vm0, v4, v5;
	v8 =	vsel vm3, v8, v6  }
0x50: {  	v4 =	vsel vm1, v5, v4;
	v9 =	vsel vm1, v6, v9;
	v5 =	vmul.u32 v8, v1  }
0x51: {  	v4 =	vsel vm2, v4, v6;
	v8 =	vmul.u32 v9, v1  }
0x52: {  	v6 =	vmul.u32 v4, v1;
	v4 =	vsub.s32 v7, v5  }
0x53: {  	s30 =	simm.s32 $0x0;
	v5 =	vsub.s32 v7, v8;
	v4 =	vadd.s32 v3, v4  }
0x54: {  	v6 =	vsub.s32 v7, v6;
	v5 =	vadd.s32 v0, v5;
	[tilespmem:s30+$0x8020] =	vst v4  }
0x55: {  	v6 =	vadd.s32 v2, v6;
	[tilespmem:s30+$0x8000] =	vst v5  }
0x56: {  	s29 =	simm.s32 $0xC0;
	[tilespmem:s30+$0x8010] =	vst v6  }
.LBB2_3:
0x57: {  	p1 =	sne.s32 s29, $0x5F40  }
.Ltmp3:
0x58: {  	_ = 	snop;
	(pc) =	sbr.rel @p1 .LBB2_3-.Ltmp3, $4  }
0x59: {  	s30 =	sshra.s32 s29, $0x2;
	v4 =	vadd.s32 $0x10, v4  }
0x5a: {  	v5 =	vadd.s32 $0x10, v5;
	[tilespmem:s30+$0x8020] =	vst v4  }
0x5b: {  	v6 =	vadd.s32 $0x10, v6;
	[tilespmem:s30+$0x8000] =	vst v5  }
0x5c: {  	s29 =	sadd.s32 $0xC0, s29;
	[tilespmem:s30+$0x8010] =	vst v6  }
.Ltmp4:
0x5d: {  	_ = 	snop;
	(pc) =	sbr.rel .LBB2_4-.Ltmp4, $1  }
0x5e: {  	_ =	sdelay $0x3  }
.LBB2_6:
0x5f: {  	_ =	sfence.sel $0x180000  }
0x60: {  	[bflag:$0x0] =	sbarrier.arrive $0xFFFF  }
0x61: {  	p0 =	sne.s32 s2, $0x0;
	_ =	strace $0x90000047  }
0x62: {  	s0 =	sadd.s32 @!p0 $0x100000, s0;
	[bflag:$0x2] =	sbarrier.arrive $0xFFFF  }
0x63: {  	[sflag:s0] =	ssyncadd.tile.s32 @!p0 $0x1;
	_ =	shalt  }
.Lfunc_end2:
_tile_overlayer_lowered:
.L_overlay_start_2:
0x64: {  	(tag) =	ssettag $0x2  }
0x65: {  	s0 =	rddreg [dreg:$0x0];
	s2 =	stileid.u32  }
0x66: {  	s1 =	rddreg [dreg:$0x1];
	p0 =	sne.s32 s2, $0x0  }
0x67: {  	s3 =	rddreg [dreg:$0x2];
	[bflag:$0x3] =	sbarrier.arrive $0xFFFF;
	s2 =	simm.s32 @!p0 $0x1C07  }
0x68: {  	[timem:s3], [sflag:s2] =	dma.local @!p0 [hbm:s0], s1  }
0x69: {  	s0 =	simm.s32 @!p0 $0x7  }
0x6a: {  	_ =	swait.ge @!p0 [sflag:s0], s1  }
0x6b: {  	s1 =	ssub.s32 @!p0 $0x0, s1;
	[sflag:s0] =	ssyncset.done @!p0 $0x0  }
0x6c: {  	[sflag:s0] =	ssyncadd.s32 @!p0 s1  }
0x6d: {  	[bflag:$0x3] =	sbarrier.arrive $0xFFFF  }
0x6e: {  	_ =	shalt  }

</sc_bundles>
